<compile_context>
chip_gen: v7x
topology: tpu7x:2x2x1
jax: 0.10.2.dev20260603
libtpu: 0.0.44.dev20260713+nightly
codegen_flags: <defaults>
</compile_context>

<pallas_src>
import functools

import jax
import jax.numpy as jnp
from jax import lax
from jax.experimental import pallas as pl
from jax.experimental.pallas import tpu as pltpu
from jax.experimental.pallas import tpu_sc as plsc

BATCH = 4096
LANES = 16

_info = plsc.get_sparse_core_info()
_NS = _info.num_subcores
_BPW = BATCH // _NS
_H = _BPW // 2


def _make_sc_kernel():
    mesh = plsc.VectorSubcoreMesh(core_axis_name="c", subcore_axis_name="s",
                                  num_cores=1)

    @functools.partial(
        pl.kernel,
        mesh=mesh,
        out_type=(
            jax.ShapeDtypeStruct((BATCH,), jnp.int32),
            jax.ShapeDtypeStruct((BATCH,), jnp.float32),
        ),
        scratch_types=[
            pltpu.VMEM((_H,), jnp.int32),
            pltpu.VMEM((_H,), jnp.int32),
            pltpu.VMEM((_H,), jnp.int32),
            pltpu.VMEM((_H,), jnp.int32),
            pltpu.VMEM((_H,), jnp.float32),
            pltpu.VMEM((_H,), jnp.float32),
        ] + [pltpu.SemaphoreType.DMA] * 6,
    )
    def sc_kernel(item_idx_hbm, tindex_hbm, tscore_hbm,
                  out_index_hbm, out_score_hbm,
                  idx_lo, idx_hi, gi_lo, gi_hi, gs_lo, gs_hi,
                  sa, sb, s1, s2, s3, s4):
        wid = lax.axis_index("s")
        base = wid * _BPW
        la = pltpu.async_copy(item_idx_hbm.at[pl.ds(base, _H)], idx_lo, sa)
        lb = pltpu.async_copy(item_idx_hbm.at[pl.ds(base + _H, _H)], idx_hi, sb)
        la.wait()
        for i in range(_H // LANES):
            sl = pl.ds(i * LANES, LANES)
            idx_lo[sl] = idx_lo[sl] - 1
        g1a = pltpu.async_copy(tindex_hbm.at[idx_lo], gi_lo, s1)
        g2a = pltpu.async_copy(tscore_hbm.at[idx_lo], gs_lo, s2)
        lb.wait()
        for i in range(_H // LANES):
            sl = pl.ds(i * LANES, LANES)
            idx_hi[sl] = idx_hi[sl] - 1
        g1b = pltpu.async_copy(tindex_hbm.at[idx_hi], gi_hi, s3)
        g2b = pltpu.async_copy(tscore_hbm.at[idx_hi], gs_hi, s4)
        g1a.wait()
        for i in range(_H // LANES):
            sl = pl.ds(i * LANES, LANES)
            gi_lo[sl] = gi_lo[sl] + 1
        w1a = pltpu.async_copy(gi_lo, out_index_hbm.at[pl.ds(base, _H)], sa)
        g2a.wait()
        w2a = pltpu.async_copy(gs_lo, out_score_hbm.at[pl.ds(base, _H)], sb)
        g1b.wait()
        for i in range(_H // LANES):
            sl = pl.ds(i * LANES, LANES)
            gi_hi[sl] = gi_hi[sl] + 1
        w1b = pltpu.async_copy(gi_hi, out_index_hbm.at[pl.ds(base + _H, _H)], s1)
        g2b.wait()
        w2b = pltpu.async_copy(gs_hi, out_score_hbm.at[pl.ds(base + _H, _H)], s2)
        w1a.wait()
        w2a.wait()
        w1b.wait()
        w2b.wait()

    return sc_kernel


_sc_kernel = _make_sc_kernel()


def kernel(item_idx, top_1_index, top_1_score, top_k):
    del top_k
    index, score = _sc_kernel(item_idx, top_1_index, top_1_score)
    return (index, score)

# --- scband reference (transcript-rebuilt; emitter-appended) ---
"""Pipeline reference for scband-offline-item-similarity-16801912062163 (READ-ONLY COPY).

The authoritative reference and input builder live on the scoring server;
editing this copy changes nothing except your own understanding.
"""

import jax, jax.numpy as jnp
import numpy as np

NUM_ITEMS = 100000
BATCH = 4096


def setup_inputs(seed: int = 0) -> dict:
    key = jax.random.key(seed)
    k1, k2, k3 = jax.random.split(key, 3)
    # item indices are 1-based in the original module (item_idx - 1 indexes the tables)
    item_idx = jax.random.randint(k1, (BATCH,), 1, NUM_ITEMS)
    # Precomputed artifacts of __init__: per-item best co-rate neighbor and its
    # min-max-normalized score, derived from the co-rate matrix row-wise max/argmax.
    raw = jax.random.uniform(k2, (NUM_ITEMS - 1,), dtype=jnp.float32)
    top_1_score = (raw - raw.min()) / (raw.max() - raw.min())
    top_1_index = jax.random.randint(k3, (NUM_ITEMS - 1,), 0, NUM_ITEMS - 1)
    return {
        "item_idx": item_idx,
        "top_1_index": top_1_index,
        "top_1_score": top_1_score,
        "top_k": 1,
    }


def reference(item_idx, top_1_index, top_1_score, top_k=1):
    # Faithful translation of OfflineItemSimilarity.forward with with_score=True
    idx0 = item_idx - 1
    index = jnp.take(top_1_index, idx0, axis=0) + top_k
    score = jnp.take(top_1_score, idx0, axis=0)
    return (index, score)

if __name__ == "__main__":
    import jax
    _d = setup_inputs()
    print(jax.jit(kernel)(*tuple(_d.values())))

</pallas_src>

<mosaic_0001>
#map = affine_map<(d0, d1) -> (0)>
module attributes {stable_mosaic.version = 14 : i64} {
  func.func @sc_kernel(%arg0: i32, %arg1: i32, %arg2: memref<4096xi32, #tpu.memory_space<hbm>>, %arg3: memref<99999xi32, #tpu.memory_space<hbm>>, %arg4: memref<99999xf32, #tpu.memory_space<hbm>>, %arg5: memref<4096xi32, #tpu.memory_space<hbm>>, %arg6: memref<4096xf32, #tpu.memory_space<hbm>>, %arg7: memref<128xi32, #tpu.memory_space<vmem>>, %arg8: memref<128xi32, #tpu.memory_space<vmem>>, %arg9: memref<128xi32, #tpu.memory_space<vmem>>, %arg10: memref<128xi32, #tpu.memory_space<vmem>>, %arg11: memref<128xf32, #tpu.memory_space<vmem>>, %arg12: memref<128xf32, #tpu.memory_space<vmem>>, %arg13: memref<!tpu.dma_semaphore, #tpu.memory_space<semaphore_mem>>, %arg14: memref<!tpu.dma_semaphore, #tpu.memory_space<semaphore_mem>>, %arg15: memref<!tpu.dma_semaphore, #tpu.memory_space<semaphore_mem>>, %arg16: memref<!tpu.dma_semaphore, #tpu.memory_space<semaphore_mem>>, %arg17: memref<!tpu.dma_semaphore, #tpu.memory_space<semaphore_mem>>, %arg18: memref<!tpu.dma_semaphore, #tpu.memory_space<semaphore_mem>>) attributes {dimension_semantics = [#tpu.dimension_semantics<core_parallel>, #tpu.dimension_semantics<subcore_parallel>], iteration_bounds = array<i64: 1, 16>, scalar_prefetch = 0 : i64, scratch_operands = 12 : i64, tpu.core_type = #tpu.core_type<sc_vector_subcore>, window_params = [{transform_indices = #map}, {transform_indices = #map}, {transform_indices = #map}, {transform_indices = #map}, {transform_indices = #map}]} {
    %mul3A = arith.constant 256 : i32
    %mul3A_0 = arith.muli %arg1, %mul3A : i32
    %dma_start3A = tpu.memref_slice %arg2[%mul3A_0] : memref<4096xi32, #tpu.memory_space<hbm>> -> memref<128xi32, #tpu.memory_space<hbm>>
    %dma_start3A_1 = tpu.memref_slice %arg2[%mul3A_0] : memref<4096xi32, #tpu.memory_space<hbm>> -> memref<128xi32, #tpu.memory_space<hbm>>
    tpu.enqueue_dma source(%dma_start3A_1 : memref<128xi32, #tpu.memory_space<hbm>>) target(%arg7 : memref<128xi32, #tpu.memory_space<vmem>>) target_semaphore(%arg13 : memref<!tpu.dma_semaphore, #tpu.memory_space<semaphore_mem>>)
    %add3A = arith.constant 128 : i32
    %add3A_2 = arith.addi %mul3A_0, %add3A : i32
    %dma_start3A_3 = tpu.memref_slice %arg2[%add3A_2] : memref<4096xi32, #tpu.memory_space<hbm>> -> memref<128xi32, #tpu.memory_space<hbm>>
    %dma_start3A_4 = tpu.memref_slice %arg2[%add3A_2] : memref<4096xi32, #tpu.memory_space<hbm>> -> memref<128xi32, #tpu.memory_space<hbm>>
    tpu.enqueue_dma source(%dma_start3A_4 : memref<128xi32, #tpu.memory_space<hbm>>) target(%arg8 : memref<128xi32, #tpu.memory_space<vmem>>) target_semaphore(%arg14 : memref<!tpu.dma_semaphore, #tpu.memory_space<semaphore_mem>>)
    %dma_wait3A = tpu.memref_slice %arg2[%mul3A_0] : memref<4096xi32, #tpu.memory_space<hbm>> -> memref<128xi32, #tpu.memory_space<hbm>>
    %dma_wait3A_5 = tpu.memref_slice %arg2[%mul3A_0] : memref<4096xi32, #tpu.memory_space<hbm>> -> memref<128xi32, #tpu.memory_space<hbm>>
    tpu.wait_dma2 semaphore(%arg13 : memref<!tpu.dma_semaphore, #tpu.memory_space<semaphore_mem>>) src(%dma_wait3A_5 : memref<128xi32, #tpu.memory_space<hbm>>) dst(%arg7 : memref<128xi32, #tpu.memory_space<vmem>>)
    %get3A = arith.constant 0 : index
    %get3A_6 = tpu.vector_load %arg7[%get3A] {strides = array<i32>} : memref<128xi32, #tpu.memory_space<vmem>>, vector<16xi32>,
    %get3A_7 = vector.shape_cast %get3A_6 : vector<16xi32> to vector<16xi32>
    %sub3A = arith.constant 1 : i32
    %sub3A_8 = vector.broadcast %sub3A : i32 to vector<16xi32>
    %sub3A_9 = arith.subi %get3A_7, %sub3A_8 : vector<16xi32>
    %swap3A = arith.constant 0 : index
    %swap3A_10 = tpu.vector_load %arg7[%swap3A] {strides = array<i32>} : memref<128xi32, #tpu.memory_space<vmem>>, vector<16xi32>,
    %swap3A_11 = vector.shape_cast %swap3A_10 : vector<16xi32> to vector<16xi32>
    %swap3A_12 = vector.shape_cast %sub3A_9 : vector<16xi32> to vector<16xi32>
    tpu.vector_store %arg7[%swap3A], %swap3A_12 {strides = array<i32>} : memref<128xi32, #tpu.memory_space<vmem>>, vector<16xi32>,
    %get3A_13 = arith.constant 16 : index
    %get3A_14 = tpu.vector_load %arg7[%get3A_13] {strides = array<i32>} : memref<128xi32, #tpu.memory_space<vmem>>, vector<16xi32>,
    %get3A_15 = vector.shape_cast %get3A_14 : vector<16xi32> to vector<16xi32>
    %sub3A_16 = arith.constant 1 : i32
    %sub3A_17 = vector.broadcast %sub3A_16 : i32 to vector<16xi32>
    %sub3A_18 = arith.subi %get3A_15, %sub3A_17 : vector<16xi32>
    %swap3A_19 = arith.constant 16 : index
    %swap3A_20 = tpu.vector_load %arg7[%swap3A_19] {strides = array<i32>} : memref<128xi32, #tpu.memory_space<vmem>>, vector<16xi32>,
    %swap3A_21 = vector.shape_cast %swap3A_20 : vector<16xi32> to vector<16xi32>
    %swap3A_22 = vector.shape_cast %sub3A_18 : vector<16xi32> to vector<16xi32>
    tpu.vector_store %arg7[%swap3A_19], %swap3A_22 {strides = array<i32>} : memref<128xi32, #tpu.memory_space<vmem>>, vector<16xi32>,
    %get3A_23 = arith.constant 32 : index
    %get3A_24 = tpu.vector_load %arg7[%get3A_23] {strides = array<i32>} : memref<128xi32, #tpu.memory_space<vmem>>, vector<16xi32>,
    %get3A_25 = vector.shape_cast %get3A_24 : vector<16xi32> to vector<16xi32>
    %sub3A_26 = arith.constant 1 : i32
    %sub3A_27 = vector.broadcast %sub3A_26 : i32 to vector<16xi32>
    %sub3A_28 = arith.subi %get3A_25, %sub3A_27 : vector<16xi32>
    %swap3A_29 = arith.constant 32 : index
    %swap3A_30 = tpu.vector_load %arg7[%swap3A_29] {strides = array<i32>} : memref<128xi32, #tpu.memory_space<vmem>>, vector<16xi32>,
    %swap3A_31 = vector.shape_cast %swap3A_30 : vector<16xi32> to vector<16xi32>
    %swap3A_32 = vector.shape_cast %sub3A_28 : vector<16xi32> to vector<16xi32>
    tpu.vector_store %arg7[%swap3A_29], %swap3A_32 {strides = array<i32>} : memref<128xi32, #tpu.memory_space<vmem>>, vector<16xi32>,
    %get3A_33 = arith.constant 48 : index
    %get3A_34 = tpu.vector_load %arg7[%get3A_33] {strides = array<i32>} : memref<128xi32, #tpu.memory_space<vmem>>, vector<16xi32>,
    %get3A_35 = vector.shape_cast %get3A_34 : vector<16xi32> to vector<16xi32>
    %sub3A_36 = arith.constant 1 : i32
    %sub3A_37 = vector.broadcast %sub3A_36 : i32 to vector<16xi32>
    %sub3A_38 = arith.subi %get3A_35, %sub3A_37 : vector<16xi32>
    %swap3A_39 = arith.constant 48 : index
    %swap3A_40 = tpu.vector_load %arg7[%swap3A_39] {strides = array<i32>} : memref<128xi32, #tpu.memory_space<vmem>>, vector<16xi32>,
    %swap3A_41 = vector.shape_cast %swap3A_40 : vector<16xi32> to vector<16xi32>
    %swap3A_42 = vector.shape_cast %sub3A_38 : vector<16xi32> to vector<16xi32>
    tpu.vector_store %arg7[%swap3A_39], %swap3A_42 {strides = array<i32>} : memref<128xi32, #tpu.memory_space<vmem>>, vector<16xi32>,
    %get3A_43 = arith.constant 64 : index
    %get3A_44 = tpu.vector_load %arg7[%get3A_43] {strides = array<i32>} : memref<128xi32, #tpu.memory_space<vmem>>, vector<16xi32>,
    %get3A_45 = vector.shape_cast %get3A_44 : vector<16xi32> to vector<16xi32>
    %sub3A_46 = arith.constant 1 : i32
    %sub3A_47 = vector.broadcast %sub3A_46 : i32 to vector<16xi32>
    %sub3A_48 = arith.subi %get3A_45, %sub3A_47 : vector<16xi32>
    %swap3A_49 = arith.constant 64 : index
    %swap3A_50 = tpu.vector_load %arg7[%swap3A_49] {strides = array<i32>} : memref<128xi32, #tpu.memory_space<vmem>>, vector<16xi32>,
    %swap3A_51 = vector.shape_cast %swap3A_50 : vector<16xi32> to vector<16xi32>
    %swap3A_52 = vector.shape_cast %sub3A_48 : vector<16xi32> to vector<16xi32>
    tpu.vector_store %arg7[%swap3A_49], %swap3A_52 {strides = array<i32>} : memref<128xi32, #tpu.memory_space<vmem>>, vector<16xi32>,
    %get3A_53 = arith.constant 80 : index
    %get3A_54 = tpu.vector_load %arg7[%get3A_53] {strides = array<i32>} : memref<128xi32, #tpu.memory_space<vmem>>, vector<16xi32>,
    %get3A_55 = vector.shape_cast %get3A_54 : vector<16xi32> to vector<16xi32>
    %sub3A_56 = arith.constant 1 : i32
    %sub3A_57 = vector.broadcast %sub3A_56 : i32 to vector<16xi32>
    %sub3A_58 = arith.subi %get3A_55, %sub3A_57 : vector<16xi32>
    %swap3A_59 = arith.constant 80 : index
    %swap3A_60 = tpu.vector_load %arg7[%swap3A_59] {strides = array<i32>} : memref<128xi32, #tpu.memory_space<vmem>>, vector<16xi32>,
    %swap3A_61 = vector.shape_cast %swap3A_60 : vector<16xi32> to vector<16xi32>
    %swap3A_62 = vector.shape_cast %sub3A_58 : vector<16xi32> to vector<16xi32>
    tpu.vector_store %arg7[%swap3A_59], %swap3A_62 {strides = array<i32>} : memref<128xi32, #tpu.memory_space<vmem>>, vector<16xi32>,
    %get3A_63 = arith.constant 96 : index
    %get3A_64 = tpu.vector_load %arg7[%get3A_63] {strides = array<i32>} : memref<128xi32, #tpu.memory_space<vmem>>, vector<16xi32>,
    %get3A_65 = vector.shape_cast %get3A_64 : vector<16xi32> to vector<16xi32>
    %sub3A_66 = arith.constant 1 : i32
    %sub3A_67 = vector.broadcast %sub3A_66 : i32 to vector<16xi32>
    %sub3A_68 = arith.subi %get3A_65, %sub3A_67 : vector<16xi32>
    %swap3A_69 = arith.constant 96 : index
    %swap3A_70 = tpu.vector_load %arg7[%swap3A_69] {strides = array<i32>} : memref<128xi32, #tpu.memory_space<vmem>>, vector<16xi32>,
    %swap3A_71 = vector.shape_cast %swap3A_70 : vector<16xi32> to vector<16xi32>
    %swap3A_72 = vector.shape_cast %sub3A_68 : vector<16xi32> to vector<16xi32>
    tpu.vector_store %arg7[%swap3A_69], %swap3A_72 {strides = array<i32>} : memref<128xi32, #tpu.memory_space<vmem>>, vector<16xi32>,
    %get3A_73 = arith.constant 112 : index
    %get3A_74 = tpu.vector_load %arg7[%get3A_73] {strides = array<i32>} : memref<128xi32, #tpu.memory_space<vmem>>, vector<16xi32>,
    %get3A_75 = vector.shape_cast %get3A_74 : vector<16xi32> to vector<16xi32>
    %sub3A_76 = arith.constant 1 : i32
    %sub3A_77 = vector.broadcast %sub3A_76 : i32 to vector<16xi32>
    %sub3A_78 = arith.subi %get3A_75, %sub3A_77 : vector<16xi32>
    %swap3A_79 = arith.constant 112 : index
    %swap3A_80 = tpu.vector_load %arg7[%swap3A_79] {strides = array<i32>} : memref<128xi32, #tpu.memory_space<vmem>>, vector<16xi32>,
    %swap3A_81 = vector.shape_cast %swap3A_80 : vector<16xi32> to vector<16xi32>
    %swap3A_82 = vector.shape_cast %sub3A_78 : vector<16xi32> to vector<16xi32>
    tpu.vector_store %arg7[%swap3A_79], %swap3A_82 {strides = array<i32>} : memref<128xi32, #tpu.memory_space<vmem>>, vector<16xi32>,
    %dma_start3A_83 = arith.constant 0 : i32
    %dma_start3A_84 = tpu.memref_slice %arg3[%dma_start3A_83] : memref<99999xi32, #tpu.memory_space<hbm>> -> memref<99999xi32, #tpu.memory_space<hbm>>
    tpu.enqueue_indirect_dma source(%dma_start3A_84 : memref<99999xi32, #tpu.memory_space<hbm>>) target(%arg9 : memref<128xi32, #tpu.memory_space<vmem>>) offsets(%arg7 : memref<128xi32, #tpu.memory_space<vmem>>) semaphore(%arg15 : memref<!tpu.dma_semaphore, #tpu.memory_space<semaphore_mem>>)
    %dma_start3A_85 = arith.constant 0 : i32
    %dma_start3A_86 = tpu.memref_slice %arg4[%dma_start3A_85] : memref<99999xf32, #tpu.memory_space<hbm>> -> memref<99999xf32, #tpu.memory_space<hbm>>
    tpu.enqueue_indirect_dma source(%dma_start3A_86 : memref<99999xf32, #tpu.memory_space<hbm>>) target(%arg11 : memref<128xf32, #tpu.memory_space<vmem>>) offsets(%arg7 : memref<128xi32, #tpu.memory_space<vmem>>) semaphore(%arg16 : memref<!tpu.dma_semaphore, #tpu.memory_space<semaphore_mem>>)
    %dma_wait3A_87 = tpu.memref_slice %arg2[%add3A_2] : memref<4096xi32, #tpu.memory_space<hbm>> -> memref<128xi32, #tpu.memory_space<hbm>>
    %dma_wait3A_88 = tpu.memref_slice %arg2[%add3A_2] : memref<4096xi32, #tpu.memory_space<hbm>> -> memref<128xi32, #tpu.memory_space<hbm>>
    tpu.wait_dma2 semaphore(%arg14 : memref<!tpu.dma_semaphore, #tpu.memory_space<semaphore_mem>>) src(%dma_wait3A_88 : memref<128xi32, #tpu.memory_space<hbm>>) dst(%arg8 : memref<128xi32, #tpu.memory_space<vmem>>)
    %get3A_89 = arith.constant 0 : index
    %get3A_90 = tpu.vector_load %arg8[%get3A_89] {strides = array<i32>} : memref<128xi32, #tpu.memory_space<vmem>>, vector<16xi32>,
    %get3A_91 = vector.shape_cast %get3A_90 : vector<16xi32> to vector<16xi32>
    %sub3A_92 = arith.constant 1 : i32
    %sub3A_93 = vector.broadcast %sub3A_92 : i32 to vector<16xi32>
    %sub3A_94 = arith.subi %get3A_91, %sub3A_93 : vector<16xi32>
    %swap3A_95 = arith.constant 0 : index
    %swap3A_96 = tpu.vector_load %arg8[%swap3A_95] {strides = array<i32>} : memref<128xi32, #tpu.memory_space<vmem>>, vector<16xi32>,
    %swap3A_97 = vector.shape_cast %swap3A_96 : vector<16xi32> to vector<16xi32>
    %swap3A_98 = vector.shape_cast %sub3A_94 : vector<16xi32> to vector<16xi32>
    tpu.vector_store %arg8[%swap3A_95], %swap3A_98 {strides = array<i32>} : memref<128xi32, #tpu.memory_space<vmem>>, vector<16xi32>,
    %get3A_99 = arith.constant 16 : index
    %get3A_100 = tpu.vector_load %arg8[%get3A_99] {strides = array<i32>} : memref<128xi32, #tpu.memory_space<vmem>>, vector<16xi32>,
    %get3A_101 = vector.shape_cast %get3A_100 : vector<16xi32> to vector<16xi32>
    %sub3A_102 = arith.constant 1 : i32
    %sub3A_103 = vector.broadcast %sub3A_102 : i32 to vector<16xi32>
    %sub3A_104 = arith.subi %get3A_101, %sub3A_103 : vector<16xi32>
    %swap3A_105 = arith.constant 16 : index
    %swap3A_106 = tpu.vector_load %arg8[%swap3A_105] {strides = array<i32>} : memref<128xi32, #tpu.memory_space<vmem>>, vector<16xi32>,
    %swap3A_107 = vector.shape_cast %swap3A_106 : vector<16xi32> to vector<16xi32>
    %swap3A_108 = vector.shape_cast %sub3A_104 : vector<16xi32> to vector<16xi32>
    tpu.vector_store %arg8[%swap3A_105], %swap3A_108 {strides = array<i32>} : memref<128xi32, #tpu.memory_space<vmem>>, vector<16xi32>,
    %get3A_109 = arith.constant 32 : index
    %get3A_110 = tpu.vector_load %arg8[%get3A_109] {strides = array<i32>} : memref<128xi32, #tpu.memory_space<vmem>>, vector<16xi32>,
    %get3A_111 = vector.shape_cast %get3A_110 : vector<16xi32> to vector<16xi32>
    %sub3A_112 = arith.constant 1 : i32
    %sub3A_113 = vector.broadcast %sub3A_112 : i32 to vector<16xi32>
    %sub3A_114 = arith.subi %get3A_111, %sub3A_113 : vector<16xi32>
    %swap3A_115 = arith.constant 32 : index
    %swap3A_116 = tpu.vector_load %arg8[%swap3A_115] {strides = array<i32>} : memref<128xi32, #tpu.memory_space<vmem>>, vector<16xi32>,
    %swap3A_117 = vector.shape_cast %swap3A_116 : vector<16xi32> to vector<16xi32>
    %swap3A_118 = vector.shape_cast %sub3A_114 : vector<16xi32> to vector<16xi32>
    tpu.vector_store %arg8[%swap3A_115], %swap3A_118 {strides = array<i32>} : memref<128xi32, #tpu.memory_space<vmem>>, vector<16xi32>,
    %get3A_119 = arith.constant 48 : index
    %get3A_120 = tpu.vector_load %arg8[%get3A_119] {strides = array<i32>} : memref<128xi32, #tpu.memory_space<vmem>>, vector<16xi32>,
    %get3A_121 = vector.shape_cast %get3A_120 : vector<16xi32> to vector<16xi32>
    %sub3A_122 = arith.constant 1 : i32
    %sub3A_123 = vector.broadcast %sub3A_122 : i32 to vector<16xi32>
    %sub3A_124 = arith.subi %get3A_121, %sub3A_123 : vector<16xi32>
    %swap3A_125 = arith.constant 48 : index
    %swap3A_126 = tpu.vector_load %arg8[%swap3A_125] {strides = array<i32>} : memref<128xi32, #tpu.memory_space<vmem>>, vector<16xi32>,
    %swap3A_127 = vector.shape_cast %swap3A_126 : vector<16xi32> to vector<16xi32>
    %swap3A_128 = vector.shape_cast %sub3A_124 : vector<16xi32> to vector<16xi32>
    tpu.vector_store %arg8[%swap3A_125], %swap3A_128 {strides = array<i32>} : memref<128xi32, #tpu.memory_space<vmem>>, vector<16xi32>,
    %get3A_129 = arith.constant 64 : index
    %get3A_130 = tpu.vector_load %arg8[%get3A_129] {strides = array<i32>} : memref<128xi32, #tpu.memory_space<vmem>>, vector<16xi32>,
    %get3A_131 = vector.shape_cast %get3A_130 : vector<16xi32> to vector<16xi32>
    %sub3A_132 = arith.constant 1 : i32
    %sub3A_133 = vector.broadcast %sub3A_132 : i32 to vector<16xi32>
    %sub3A_134 = arith.subi %get3A_131, %sub3A_133 : vector<16xi32>
    %swap3A_135 = arith.constant 64 : index
    %swap3A_136 = tpu.vector_load %arg8[%swap3A_135] {strides = array<i32>} : memref<128xi32, #tpu.memory_space<vmem>>, vector<16xi32>,
    %swap3A_137 = vector.shape_cast %swap3A_136 : vector<16xi32> to vector<16xi32>
    %swap3A_138 = vector.shape_cast %sub3A_134 : vector<16xi32> to vector<16xi32>
    tpu.vector_store %arg8[%swap3A_135], %swap3A_138 {strides = array<i32>} : memref<128xi32, #tpu.memory_space<vmem>>, vector<16xi32>,
    %get3A_139 = arith.constant 80 : index
    %get3A_140 = tpu.vector_load %arg8[%get3A_139] {strides = array<i32>} : memref<128xi32, #tpu.memory_space<vmem>>, vector<16xi32>,
    %get3A_141 = vector.shape_cast %get3A_140 : vector<16xi32> to vector<16xi32>
    %sub3A_142 = arith.constant 1 : i32
    %sub3A_143 = vector.broadcast %sub3A_142 : i32 to vector<16xi32>
    %sub3A_144 = arith.subi %get3A_141, %sub3A_143 : vector<16xi32>
    %swap3A_145 = arith.constant 80 : index
    %swap3A_146 = tpu.vector_load %arg8[%swap3A_145] {strides = array<i32>} : memref<128xi32, #tpu.memory_space<vmem>>, vector<16xi32>,
    %swap3A_147 = vector.shape_cast %swap3A_146 : vector<16xi32> to vector<16xi32>
    %swap3A_148 = vector.shape_cast %sub3A_144 : vector<16xi32> to vector<16xi32>
    tpu.vector_store %arg8[%swap3A_145], %swap3A_148 {strides = array<i32>} : memref<128xi32, #tpu.memory_space<vmem>>, vector<16xi32>,
    %get3A_149 = arith.constant 96 : index
    %get3A_150 = tpu.vector_load %arg8[%get3A_149] {strides = array<i32>} : memref<128xi32, #tpu.memory_space<vmem>>, vector<16xi32>,
    %get3A_151 = vector.shape_cast %get3A_150 : vector<16xi32> to vector<16xi32>
    %sub3A_152 = arith.constant 1 : i32
    %sub3A_153 = vector.broadcast %sub3A_152 : i32 to vector<16xi32>
    %sub3A_154 = arith.subi %get3A_151, %sub3A_153 : vector<16xi32>
    %swap3A_155 = arith.constant 96 : index
    %swap3A_156 = tpu.vector_load %arg8[%swap3A_155] {strides = array<i32>} : memref<128xi32, #tpu.memory_space<vmem>>, vector<16xi32>,
    %swap3A_157 = vector.shape_cast %swap3A_156 : vector<16xi32> to vector<16xi32>
    %swap3A_158 = vector.shape_cast %sub3A_154 : vector<16xi32> to vector<16xi32>
    tpu.vector_store %arg8[%swap3A_155], %swap3A_158 {strides = array<i32>} : memref<128xi32, #tpu.memory_space<vmem>>, vector<16xi32>,
    %get3A_159 = arith.constant 112 : index
    %get3A_160 = tpu.vector_load %arg8[%get3A_159] {strides = array<i32>} : memref<128xi32, #tpu.memory_space<vmem>>, vector<16xi32>,
    %get3A_161 = vector.shape_cast %get3A_160 : vector<16xi32> to vector<16xi32>
    %sub3A_162 = arith.constant 1 : i32
    %sub3A_163 = vector.broadcast %sub3A_162 : i32 to vector<16xi32>
    %sub3A_164 = arith.subi %get3A_161, %sub3A_163 : vector<16xi32>
    %swap3A_165 = arith.constant 112 : index
    %swap3A_166 = tpu.vector_load %arg8[%swap3A_165] {strides = array<i32>} : memref<128xi32, #tpu.memory_space<vmem>>, vector<16xi32>,
    %swap3A_167 = vector.shape_cast %swap3A_166 : vector<16xi32> to vector<16xi32>
    %swap3A_168 = vector.shape_cast %sub3A_164 : vector<16xi32> to vector<16xi32>
    tpu.vector_store %arg8[%swap3A_165], %swap3A_168 {strides = array<i32>} : memref<128xi32, #tpu.memory_space<vmem>>, vector<16xi32>,
    %dma_start3A_169 = arith.constant 0 : i32
    %dma_start3A_170 = tpu.memref_slice %arg3[%dma_start3A_169] : memref<99999xi32, #tpu.memory_space<hbm>> -> memref<99999xi32, #tpu.memory_space<hbm>>
    tpu.enqueue_indirect_dma source(%dma_start3A_170 : memref<99999xi32, #tpu.memory_space<hbm>>) target(%arg10 : memref<128xi32, #tpu.memory_space<vmem>>) offsets(%arg8 : memref<128xi32, #tpu.memory_space<vmem>>) semaphore(%arg17 : memref<!tpu.dma_semaphore, #tpu.memory_space<semaphore_mem>>)
    %dma_start3A_171 = arith.constant 0 : i32
    %dma_start3A_172 = tpu.memref_slice %arg4[%dma_start3A_171] : memref<99999xf32, #tpu.memory_space<hbm>> -> memref<99999xf32, #tpu.memory_space<hbm>>
    tpu.enqueue_indirect_dma source(%dma_start3A_172 : memref<99999xf32, #tpu.memory_space<hbm>>) target(%arg12 : memref<128xf32, #tpu.memory_space<vmem>>) offsets(%arg8 : memref<128xi32, #tpu.memory_space<vmem>>) semaphore(%arg18 : memref<!tpu.dma_semaphore, #tpu.memory_space<semaphore_mem>>)
    %dma_wait3A_173 = arith.constant 0 : i32
    %dma_wait3A_174 = tpu.memref_slice %arg3[%dma_wait3A_173] : memref<99999xi32, #tpu.memory_space<hbm>> -> memref<99999xi32, #tpu.memory_space<hbm>>
    tpu.wait_indirect_dma semaphore(%arg15 : memref<!tpu.dma_semaphore, #tpu.memory_space<semaphore_mem>>) src(%dma_wait3A_174 : memref<99999xi32, #tpu.memory_space<hbm>>) dst(%arg9 : memref<128xi32, #tpu.memory_space<vmem>>)
    %get3A_175 = arith.constant 0 : index
    %get3A_176 = tpu.vector_load %arg9[%get3A_175] {strides = array<i32>} : memref<128xi32, #tpu.memory_space<vmem>>, vector<16xi32>,
    %get3A_177 = vector.shape_cast %get3A_176 : vector<16xi32> to vector<16xi32>
    %add3A_178 = arith.constant 1 : i32
    %add3A_179 = vector.broadcast %add3A_178 : i32 to vector<16xi32>
    %add3A_180 = arith.addi %get3A_177, %add3A_179 : vector<16xi32>
    %swap3A_181 = arith.constant 0 : index
    %swap3A_182 = tpu.vector_load %arg9[%swap3A_181] {strides = array<i32>} : memref<128xi32, #tpu.memory_space<vmem>>, vector<16xi32>,
    %swap3A_183 = vector.shape_cast %swap3A_182 : vector<16xi32> to vector<16xi32>
    %swap3A_184 = vector.shape_cast %add3A_180 : vector<16xi32> to vector<16xi32>
    tpu.vector_store %arg9[%swap3A_181], %swap3A_184 {strides = array<i32>} : memref<128xi32, #tpu.memory_space<vmem>>, vector<16xi32>,
    %get3A_185 = arith.constant 16 : index
    %get3A_186 = tpu.vector_load %arg9[%get3A_185] {strides = array<i32>} : memref<128xi32, #tpu.memory_space<vmem>>, vector<16xi32>,
    %get3A_187 = vector.shape_cast %get3A_186 : vector<16xi32> to vector<16xi32>
    %add3A_188 = arith.constant 1 : i32
    %add3A_189 = vector.broadcast %add3A_188 : i32 to vector<16xi32>
    %add3A_190 = arith.addi %get3A_187, %add3A_189 : vector<16xi32>
    %swap3A_191 = arith.constant 16 : index
    %swap3A_192 = tpu.vector_load %arg9[%swap3A_191] {strides = array<i32>} : memref<128xi32, #tpu.memory_space<vmem>>, vector<16xi32>,
    %swap3A_193 = vector.shape_cast %swap3A_192 : vector<16xi32> to vector<16xi32>
    %swap3A_194 = vector.shape_cast %add3A_190 : vector<16xi32> to vector<16xi32>
    tpu.vector_store %arg9[%swap3A_191], %swap3A_194 {strides = array<i32>} : memref<128xi32, #tpu.memory_space<vmem>>, vector<16xi32>,
    %get3A_195 = arith.constant 32 : index
    %get3A_196 = tpu.vector_load %arg9[%get3A_195] {strides = array<i32>} : memref<128xi32, #tpu.memory_space<vmem>>, vector<16xi32>,
    %get3A_197 = vector.shape_cast %get3A_196 : vector<16xi32> to vector<16xi32>
    %add3A_198 = arith.constant 1 : i32
    %add3A_199 = vector.broadcast %add3A_198 : i32 to vector<16xi32>
    %add3A_200 = arith.addi %get3A_197, %add3A_199 : vector<16xi32>
    %swap3A_201 = arith.constant 32 : index
    %swap3A_202 = tpu.vector_load %arg9[%swap3A_201] {strides = array<i32>} : memref<128xi32, #tpu.memory_space<vmem>>, vector<16xi32>,
    %swap3A_203 = vector.shape_cast %swap3A_202 : vector<16xi32> to vector<16xi32>
    %swap3A_204 = vector.shape_cast %add3A_200 : vector<16xi32> to vector<16xi32>
    tpu.vector_store %arg9[%swap3A_201], %swap3A_204 {strides = array<i32>} : memref<128xi32, #tpu.memory_space<vmem>>, vector<16xi32>,
    %get3A_205 = arith.constant 48 : index
    %get3A_206 = tpu.vector_load %arg9[%get3A_205] {strides = array<i32>} : memref<128xi32, #tpu.memory_space<vmem>>, vector<16xi32>,
    %get3A_207 = vector.shape_cast %get3A_206 : vector<16xi32> to vector<16xi32>
    %add3A_208 = arith.constant 1 : i32
    %add3A_209 = vector.broadcast %add3A_208 : i32 to vector<16xi32>
    %add3A_210 = arith.addi %get3A_207, %add3A_209 : vector<16xi32>
    %swap3A_211 = arith.constant 48 : index
    %swap3A_212 = tpu.vector_load %arg9[%swap3A_211] {strides = array<i32>} : memref<128xi32, #tpu.memory_space<vmem>>, vector<16xi32>,
    %swap3A_213 = vector.shape_cast %swap3A_212 : vector<16xi32> to vector<16xi32>
    %swap3A_214 = vector.shape_cast %add3A_210 : vector<16xi32> to vector<16xi32>
    tpu.vector_store %arg9[%swap3A_211], %swap3A_214 {strides = array<i32>} : memref<128xi32, #tpu.memory_space<vmem>>, vector<16xi32>,
    %get3A_215 = arith.constant 64 : index
    %get3A_216 = tpu.vector_load %arg9[%get3A_215] {strides = array<i32>} : memref<128xi32, #tpu.memory_space<vmem>>, vector<16xi32>,
    %get3A_217 = vector.shape_cast %get3A_216 : vector<16xi32> to vector<16xi32>
    %add3A_218 = arith.constant 1 : i32
    %add3A_219 = vector.broadcast %add3A_218 : i32 to vector<16xi32>
    %add3A_220 = arith.addi %get3A_217, %add3A_219 : vector<16xi32>
    %swap3A_221 = arith.constant 64 : index
    %swap3A_222 = tpu.vector_load %arg9[%swap3A_221] {strides = array<i32>} : memref<128xi32, #tpu.memory_space<vmem>>, vector<16xi32>,
    %swap3A_223 = vector.shape_cast %swap3A_222 : vector<16xi32> to vector<16xi32>
    %swap3A_224 = vector.shape_cast %add3A_220 : vector<16xi32> to vector<16xi32>
    tpu.vector_store %arg9[%swap3A_221], %swap3A_224 {strides = array<i32>} : memref<128xi32, #tpu.memory_space<vmem>>, vector<16xi32>,
    %get3A_225 = arith.constant 80 : index
    %get3A_226 = tpu.vector_load %arg9[%get3A_225] {strides = array<i32>} : memref<128xi32, #tpu.memory_space<vmem>>, vector<16xi32>,
    %get3A_227 = vector.shape_cast %get3A_226 : vector<16xi32> to vector<16xi32>
    %add3A_228 = arith.constant 1 : i32
    %add3A_229 = vector.broadcast %add3A_228 : i32 to vector<16xi32>
    %add3A_230 = arith.addi %get3A_227, %add3A_229 : vector<16xi32>
    %swap3A_231 = arith.constant 80 : index
    %swap3A_232 = tpu.vector_load %arg9[%swap3A_231] {strides = array<i32>} : memref<128xi32, #tpu.memory_space<vmem>>, vector<16xi32>,
    %swap3A_233 = vector.shape_cast %swap3A_232 : vector<16xi32> to vector<16xi32>
    %swap3A_234 = vector.shape_cast %add3A_230 : vector<16xi32> to vector<16xi32>
    tpu.vector_store %arg9[%swap3A_231], %swap3A_234 {strides = array<i32>} : memref<128xi32, #tpu.memory_space<vmem>>, vector<16xi32>,
    %get3A_235 = arith.constant 96 : index
    %get3A_236 = tpu.vector_load %arg9[%get3A_235] {strides = array<i32>} : memref<128xi32, #tpu.memory_space<vmem>>, vector<16xi32>,
    %get3A_237 = vector.shape_cast %get3A_236 : vector<16xi32> to vector<16xi32>
    %add3A_238 = arith.constant 1 : i32
    %add3A_239 = vector.broadcast %add3A_238 : i32 to vector<16xi32>
    %add3A_240 = arith.addi %get3A_237, %add3A_239 : vector<16xi32>
    %swap3A_241 = arith.constant 96 : index
    %swap3A_242 = tpu.vector_load %arg9[%swap3A_241] {strides = array<i32>} : memref<128xi32, #tpu.memory_space<vmem>>, vector<16xi32>,
    %swap3A_243 = vector.shape_cast %swap3A_242 : vector<16xi32> to vector<16xi32>
    %swap3A_244 = vector.shape_cast %add3A_240 : vector<16xi32> to vector<16xi32>
    tpu.vector_store %arg9[%swap3A_241], %swap3A_244 {strides = array<i32>} : memref<128xi32, #tpu.memory_space<vmem>>, vector<16xi32>,
    %get3A_245 = arith.constant 112 : index
    %get3A_246 = tpu.vector_load %arg9[%get3A_245] {strides = array<i32>} : memref<128xi32, #tpu.memory_space<vmem>>, vector<16xi32>,
    %get3A_247 = vector.shape_cast %get3A_246 : vector<16xi32> to vector<16xi32>
    %add3A_248 = arith.constant 1 : i32
    %add3A_249 = vector.broadcast %add3A_248 : i32 to vector<16xi32>
    %add3A_250 = arith.addi %get3A_247, %add3A_249 : vector<16xi32>
    %swap3A_251 = arith.constant 112 : index
    %swap3A_252 = tpu.vector_load %arg9[%swap3A_251] {strides = array<i32>} : memref<128xi32, #tpu.memory_space<vmem>>, vector<16xi32>,
    %swap3A_253 = vector.shape_cast %swap3A_252 : vector<16xi32> to vector<16xi32>
    %swap3A_254 = vector.shape_cast %add3A_250 : vector<16xi32> to vector<16xi32>
    tpu.vector_store %arg9[%swap3A_251], %swap3A_254 {strides = array<i32>} : memref<128xi32, #tpu.memory_space<vmem>>, vector<16xi32>,
    %dma_start3A_255 = tpu.memref_slice %arg5[%mul3A_0] : memref<4096xi32, #tpu.memory_space<hbm>> -> memref<128xi32, #tpu.memory_space<hbm>>
    %dma_start3A_256 = tpu.memref_slice %arg5[%mul3A_0] : memref<4096xi32, #tpu.memory_space<hbm>> -> memref<128xi32, #tpu.memory_space<hbm>>
    tpu.enqueue_dma source(%arg9 : memref<128xi32, #tpu.memory_space<vmem>>) target(%dma_start3A_256 : memref<128xi32, #tpu.memory_space<hbm>>) target_semaphore(%arg13 : memref<!tpu.dma_semaphore, #tpu.memory_space<semaphore_mem>>)
    %dma_wait3A_257 = arith.constant 0 : i32
    %dma_wait3A_258 = tpu.memref_slice %arg4[%dma_wait3A_257] : memref<99999xf32, #tpu.memory_space<hbm>> -> memref<99999xf32, #tpu.memory_space<hbm>>
    tpu.wait_indirect_dma semaphore(%arg16 : memref<!tpu.dma_semaphore, #tpu.memory_space<semaphore_mem>>) src(%dma_wait3A_258 : memref<99999xf32, #tpu.memory_space<hbm>>) dst(%arg11 : memref<128xf32, #tpu.memory_space<vmem>>)
    %dma_start3A_259 = tpu.memref_slice %arg6[%mul3A_0] : memref<4096xf32, #tpu.memory_space<hbm>> -> memref<128xf32, #tpu.memory_space<hbm>>
    %dma_start3A_260 = tpu.memref_slice %arg6[%mul3A_0] : memref<4096xf32, #tpu.memory_space<hbm>> -> memref<128xf32, #tpu.memory_space<hbm>>
    tpu.enqueue_dma source(%arg11 : memref<128xf32, #tpu.memory_space<vmem>>) target(%dma_start3A_260 : memref<128xf32, #tpu.memory_space<hbm>>) target_semaphore(%arg14 : memref<!tpu.dma_semaphore, #tpu.memory_space<semaphore_mem>>)
    %dma_wait3A_261 = arith.constant 0 : i32
    %dma_wait3A_262 = tpu.memref_slice %arg3[%dma_wait3A_261] : memref<99999xi32, #tpu.memory_space<hbm>> -> memref<99999xi32, #tpu.memory_space<hbm>>
    tpu.wait_indirect_dma semaphore(%arg17 : memref<!tpu.dma_semaphore, #tpu.memory_space<semaphore_mem>>) src(%dma_wait3A_262 : memref<99999xi32, #tpu.memory_space<hbm>>) dst(%arg10 : memref<128xi32, #tpu.memory_space<vmem>>)
    %get3A_263 = arith.constant 0 : index
    %get3A_264 = tpu.vector_load %arg10[%get3A_263] {strides = array<i32>} : memref<128xi32, #tpu.memory_space<vmem>>, vector<16xi32>,
    %get3A_265 = vector.shape_cast %get3A_264 : vector<16xi32> to vector<16xi32>
    %add3A_266 = arith.constant 1 : i32
    %add3A_267 = vector.broadcast %add3A_266 : i32 to vector<16xi32>
    %add3A_268 = arith.addi %get3A_265, %add3A_267 : vector<16xi32>
    %swap3A_269 = arith.constant 0 : index
    %swap3A_270 = tpu.vector_load %arg10[%swap3A_269] {strides = array<i32>} : memref<128xi32, #tpu.memory_space<vmem>>, vector<16xi32>,
    %swap3A_271 = vector.shape_cast %swap3A_270 : vector<16xi32> to vector<16xi32>
    %swap3A_272 = vector.shape_cast %add3A_268 : vector<16xi32> to vector<16xi32>
    tpu.vector_store %arg10[%swap3A_269], %swap3A_272 {strides = array<i32>} : memref<128xi32, #tpu.memory_space<vmem>>, vector<16xi32>,
    %get3A_273 = arith.constant 16 : index
    %get3A_274 = tpu.vector_load %arg10[%get3A_273] {strides = array<i32>} : memref<128xi32, #tpu.memory_space<vmem>>, vector<16xi32>,
    %get3A_275 = vector.shape_cast %get3A_274 : vector<16xi32> to vector<16xi32>
    %add3A_276 = arith.constant 1 : i32
    %add3A_277 = vector.broadcast %add3A_276 : i32 to vector<16xi32>
    %add3A_278 = arith.addi %get3A_275, %add3A_277 : vector<16xi32>
    %swap3A_279 = arith.constant 16 : index
    %swap3A_280 = tpu.vector_load %arg10[%swap3A_279] {strides = array<i32>} : memref<128xi32, #tpu.memory_space<vmem>>, vector<16xi32>,
    %swap3A_281 = vector.shape_cast %swap3A_280 : vector<16xi32> to vector<16xi32>
    %swap3A_282 = vector.shape_cast %add3A_278 : vector<16xi32> to vector<16xi32>
    tpu.vector_store %arg10[%swap3A_279], %swap3A_282 {strides = array<i32>} : memref<128xi32, #tpu.memory_space<vmem>>, vector<16xi32>,
    %get3A_283 = arith.constant 32 : index
    %get3A_284 = tpu.vector_load %arg10[%get3A_283] {strides = array<i32>} : memref<128xi32, #tpu.memory_space<vmem>>, vector<16xi32>,
    %get3A_285 = vector.shape_cast %get3A_284 : vector<16xi32> to vector<16xi32>
    %add3A_286 = arith.constant 1 : i32
    %add3A_287 = vector.broadcast %add3A_286 : i32 to vector<16xi32>
    %add3A_288 = arith.addi %get3A_285, %add3A_287 : vector<16xi32>
    %swap3A_289 = arith.constant 32 : index
    %swap3A_290 = tpu.vector_load %arg10[%swap3A_289] {strides = array<i32>} : memref<128xi32, #tpu.memory_space<vmem>>, vector<16xi32>,
    %swap3A_291 = vector.shape_cast %swap3A_290 : vector<16xi32> to vector<16xi32>
    %swap3A_292 = vector.shape_cast %add3A_288 : vector<16xi32> to vector<16xi32>
    tpu.vector_store %arg10[%swap3A_289], %swap3A_292 {strides = array<i32>} : memref<128xi32, #tpu.memory_space<vmem>>, vector<16xi32>,
    %get3A_293 = arith.constant 48 : index
    %get3A_294 = tpu.vector_load %arg10[%get3A_293] {strides = array<i32>} : memref<128xi32, #tpu.memory_space<vmem>>, vector<16xi32>,
    %get3A_295 = vector.shape_cast %get3A_294 : vector<16xi32> to vector<16xi32>
    %add3A_296 = arith.constant 1 : i32
    %add3A_297 = vector.broadcast %add3A_296 : i32 to vector<16xi32>
    %add3A_298 = arith.addi %get3A_295, %add3A_297 : vector<16xi32>
    %swap3A_299 = arith.constant 48 : index
    %swap3A_300 = tpu.vector_load %arg10[%swap3A_299] {strides = array<i32>} : memref<128xi32, #tpu.memory_space<vmem>>, vector<16xi32>,
    %swap3A_301 = vector.shape_cast %swap3A_300 : vector<16xi32> to vector<16xi32>
    %swap3A_302 = vector.shape_cast %add3A_298 : vector<16xi32> to vector<16xi32>
    tpu.vector_store %arg10[%swap3A_299], %swap3A_302 {strides = array<i32>} : memref<128xi32, #tpu.memory_space<vmem>>, vector<16xi32>,
    %get3A_303 = arith.constant 64 : index
    %get3A_304 = tpu.vector_load %arg10[%get3A_303] {strides = array<i32>} : memref<128xi32, #tpu.memory_space<vmem>>, vector<16xi32>,
    %get3A_305 = vector.shape_cast %get3A_304 : vector<16xi32> to vector<16xi32>
    %add3A_306 = arith.constant 1 : i32
    %add3A_307 = vector.broadcast %add3A_306 : i32 to vector<16xi32>
    %add3A_308 = arith.addi %get3A_305, %add3A_307 : vector<16xi32>
    %swap3A_309 = arith.constant 64 : index
    %swap3A_310 = tpu.vector_load %arg10[%swap3A_309] {strides = array<i32>} : memref<128xi32, #tpu.memory_space<vmem>>, vector<16xi32>,
    %swap3A_311 = vector.shape_cast %swap3A_310 : vector<16xi32> to vector<16xi32>
    %swap3A_312 = vector.shape_cast %add3A_308 : vector<16xi32> to vector<16xi32>
    tpu.vector_store %arg10[%swap3A_309], %swap3A_312 {strides = array<i32>} : memref<128xi32, #tpu.memory_space<vmem>>, vector<16xi32>,
    %get3A_313 = arith.constant 80 : index
    %get3A_314 = tpu.vector_load %arg10[%get3A_313] {strides = array<i32>} : memref<128xi32, #tpu.memory_space<vmem>>, vector<16xi32>,
    %get3A_315 = vector.shape_cast %get3A_314 : vector<16xi32> to vector<16xi32>
    %add3A_316 = arith.constant 1 : i32
    %add3A_317 = vector.broadcast %add3A_316 : i32 to vector<16xi32>
    %add3A_318 = arith.addi %get3A_315, %add3A_317 : vector<16xi32>
    %swap3A_319 = arith.constant 80 : index
    %swap3A_320 = tpu.vector_load %arg10[%swap3A_319] {strides = array<i32>} : memref<128xi32, #tpu.memory_space<vmem>>, vector<16xi32>,
    %swap3A_321 = vector.shape_cast %swap3A_320 : vector<16xi32> to vector<16xi32>
    %swap3A_322 = vector.shape_cast %add3A_318 : vector<16xi32> to vector<16xi32>
    tpu.vector_store %arg10[%swap3A_319], %swap3A_322 {strides = array<i32>} : memref<128xi32, #tpu.memory_space<vmem>>, vector<16xi32>,
    %get3A_323 = arith.constant 96 : index
    %get3A_324 = tpu.vector_load %arg10[%get3A_323] {strides = array<i32>} : memref<128xi32, #tpu.memory_space<vmem>>, vector<16xi32>,
    %get3A_325 = vector.shape_cast %get3A_324 : vector<16xi32> to vector<16xi32>
    %add3A_326 = arith.constant 1 : i32
    %add3A_327 = vector.broadcast %add3A_326 : i32 to vector<16xi32>
    %add3A_328 = arith.addi %get3A_325, %add3A_327 : vector<16xi32>
    %swap3A_329 = arith.constant 96 : index
    %swap3A_330 = tpu.vector_load %arg10[%swap3A_329] {strides = array<i32>} : memref<128xi32, #tpu.memory_space<vmem>>, vector<16xi32>,
    %swap3A_331 = vector.shape_cast %swap3A_330 : vector<16xi32> to vector<16xi32>
    %swap3A_332 = vector.shape_cast %add3A_328 : vector<16xi32> to vector<16xi32>
    tpu.vector_store %arg10[%swap3A_329], %swap3A_332 {strides = array<i32>} : memref<128xi32, #tpu.memory_space<vmem>>, vector<16xi32>,
    %get3A_333 = arith.constant 112 : index
    %get3A_334 = tpu.vector_load %arg10[%get3A_333] {strides = array<i32>} : memref<128xi32, #tpu.memory_space<vmem>>, vector<16xi32>,
    %get3A_335 = vector.shape_cast %get3A_334 : vector<16xi32> to vector<16xi32>
    %add3A_336 = arith.constant 1 : i32
    %add3A_337 = vector.broadcast %add3A_336 : i32 to vector<16xi32>
    %add3A_338 = arith.addi %get3A_335, %add3A_337 : vector<16xi32>
    %swap3A_339 = arith.constant 112 : index
    %swap3A_340 = tpu.vector_load %arg10[%swap3A_339] {strides = array<i32>} : memref<128xi32, #tpu.memory_space<vmem>>, vector<16xi32>,
    %swap3A_341 = vector.shape_cast %swap3A_340 : vector<16xi32> to vector<16xi32>
    %swap3A_342 = vector.shape_cast %add3A_338 : vector<16xi32> to vector<16xi32>
    tpu.vector_store %arg10[%swap3A_339], %swap3A_342 {strides = array<i32>} : memref<128xi32, #tpu.memory_space<vmem>>, vector<16xi32>,
    %add3A_343 = arith.constant 128 : i32
    %add3A_344 = arith.addi %mul3A_0, %add3A_343 : i32
    %dma_start3A_345 = tpu.memref_slice %arg5[%add3A_344] : memref<4096xi32, #tpu.memory_space<hbm>> -> memref<128xi32, #tpu.memory_space<hbm>>
    %dma_start3A_346 = tpu.memref_slice %arg5[%add3A_344] : memref<4096xi32, #tpu.memory_space<hbm>> -> memref<128xi32, #tpu.memory_space<hbm>>
    tpu.enqueue_dma source(%arg10 : memref<128xi32, #tpu.memory_space<vmem>>) target(%dma_start3A_346 : memref<128xi32, #tpu.memory_space<hbm>>) target_semaphore(%arg15 : memref<!tpu.dma_semaphore, #tpu.memory_space<semaphore_mem>>)
    %dma_wait3A_347 = arith.constant 0 : i32
    %dma_wait3A_348 = tpu.memref_slice %arg4[%dma_wait3A_347] : memref<99999xf32, #tpu.memory_space<hbm>> -> memref<99999xf32, #tpu.memory_space<hbm>>
    tpu.wait_indirect_dma semaphore(%arg18 : memref<!tpu.dma_semaphore, #tpu.memory_space<semaphore_mem>>) src(%dma_wait3A_348 : memref<99999xf32, #tpu.memory_space<hbm>>) dst(%arg12 : memref<128xf32, #tpu.memory_space<vmem>>)
    %add3A_349 = arith.constant 128 : i32
    %add3A_350 = arith.addi %mul3A_0, %add3A_349 : i32
    %dma_start3A_351 = tpu.memref_slice %arg6[%add3A_350] : memref<4096xf32, #tpu.memory_space<hbm>> -> memref<128xf32, #tpu.memory_space<hbm>>
    %dma_start3A_352 = tpu.memref_slice %arg6[%add3A_350] : memref<4096xf32, #tpu.memory_space<hbm>> -> memref<128xf32, #tpu.memory_space<hbm>>
    tpu.enqueue_dma source(%arg12 : memref<128xf32, #tpu.memory_space<vmem>>) target(%dma_start3A_352 : memref<128xf32, #tpu.memory_space<hbm>>) target_semaphore(%arg16 : memref<!tpu.dma_semaphore, #tpu.memory_space<semaphore_mem>>)
    %dma_wait3A_353 = tpu.memref_slice %arg5[%mul3A_0] : memref<4096xi32, #tpu.memory_space<hbm>> -> memref<128xi32, #tpu.memory_space<hbm>>
    %dma_wait3A_354 = tpu.memref_slice %arg5[%mul3A_0] : memref<4096xi32, #tpu.memory_space<hbm>> -> memref<128xi32, #tpu.memory_space<hbm>>
    tpu.wait_dma2 semaphore(%arg13 : memref<!tpu.dma_semaphore, #tpu.memory_space<semaphore_mem>>) src(%arg9 : memref<128xi32, #tpu.memory_space<vmem>>) dst(%dma_wait3A_354 : memref<128xi32, #tpu.memory_space<hbm>>)
    %dma_wait3A_355 = tpu.memref_slice %arg6[%mul3A_0] : memref<4096xf32, #tpu.memory_space<hbm>> -> memref<128xf32, #tpu.memory_space<hbm>>
    %dma_wait3A_356 = tpu.memref_slice %arg6[%mul3A_0] : memref<4096xf32, #tpu.memory_space<hbm>> -> memref<128xf32, #tpu.memory_space<hbm>>
    tpu.wait_dma2 semaphore(%arg14 : memref<!tpu.dma_semaphore, #tpu.memory_space<semaphore_mem>>) src(%arg11 : memref<128xf32, #tpu.memory_space<vmem>>) dst(%dma_wait3A_356 : memref<128xf32, #tpu.memory_space<hbm>>)
    %dma_wait3A_357 = tpu.memref_slice %arg5[%add3A_344] : memref<4096xi32, #tpu.memory_space<hbm>> -> memref<128xi32, #tpu.memory_space<hbm>>
    %dma_wait3A_358 = tpu.memref_slice %arg5[%add3A_344] : memref<4096xi32, #tpu.memory_space<hbm>> -> memref<128xi32, #tpu.memory_space<hbm>>
    tpu.wait_dma2 semaphore(%arg15 : memref<!tpu.dma_semaphore, #tpu.memory_space<semaphore_mem>>) src(%arg10 : memref<128xi32, #tpu.memory_space<vmem>>) dst(%dma_wait3A_358 : memref<128xi32, #tpu.memory_space<hbm>>)
    %dma_wait3A_359 = tpu.memref_slice %arg6[%add3A_350] : memref<4096xf32, #tpu.memory_space<hbm>> -> memref<128xf32, #tpu.memory_space<hbm>>
    %dma_wait3A_360 = tpu.memref_slice %arg6[%add3A_350] : memref<4096xf32, #tpu.memory_space<hbm>> -> memref<128xf32, #tpu.memory_space<hbm>>
    tpu.wait_dma2 semaphore(%arg16 : memref<!tpu.dma_semaphore, #tpu.memory_space<semaphore_mem>>) src(%arg12 : memref<128xf32, #tpu.memory_space<vmem>>) dst(%dma_wait3A_360 : memref<128xf32, #tpu.memory_space<hbm>>)
    return
  }
}

</mosaic_0001>

<sc_bundles>
// kernel: kernel.3.cloned.1.call-start
scs
__scs_entry_jumppad:
0x0: {  	(pc) =	sbr.rel $0x88, $3  }
0x1: {  	(tag) =	ssettag $0x0;
	lr =	simm.s32 $0x1  }
0x2: {  	[smem:$0x3F9E] =	sst lr;
	_ =	strace $0xD0000000  }
0x3: {  	_ = 	snop  }
0x4: {  	_ = 	snop  }
0x5: {  	_ = 	snop  }
0x6: {  	_ = 	snop  }
0x7: {  	_ = 	snop  }
__scs_overlays_trampoline_lowered:
0x8: {  	[smem:$0x3FAD] =	sst s0  }
0x9: {  	[smem:$0x3FAE] =	sst s1  }
0xa: {  	[smem:$0x3FAF] =	sst s2  }
0xb: {  	[smem:$0x3FB0] =	sst s3  }
0xc: {  	[smem:$0x3FB1] =	sst s4  }
0xd: {  	[smem:$0x3FB2] =	sst s5  }
0xe: {  	[smem:$0x3FB3] =	sst s6  }
0xf: {  	[smem:$0x3FB4] =	sst s7  }
0x10: {  	[smem:$0x3FB5] =	sst s8  }
0x11: {  	[smem:$0x3FB6] =	sst s9;
	s0 =	simm.s32 @!p0 $0x0  }
0x12: {  	s1 =	sld [smem:$0x3F9C];
	s0 =	simm.s32 @p0 $0x1  }
0x13: {  	[smem:$0x3FB7] =	sst s0;
	s0 =	simm.s32 @!p1 $0x0  }
0x14: {  	s2 =	sld [smem:$0x3F9B];
	s0 =	simm.s32 @p1 $0x1  }
0x15: {  	[smem:$0x3FB8] =	sst s0;
	s0 =	simm.s32 @!p2 $0x0  }
0x16: {  	s3 =	sld [smem:$0x3FDB];
	s0 =	simm.s32 @p2 $0x1  }
0x17: {  	s4 =	simm.s32 $0x1BF5;
	[smem:$0x3FBA] =	sst s0  }
0x18: {  	s0 =	sld [smem:$0x3F9D];
	_ =	swait.ge [sflag:s4], $0x0  }
0x19: {  	s7 =	sld [smem:$0x3F9E]  }
0x1a: {  	s8 =	sadd.s32 $0xFFFFE003, lr  }
0x1b: {  	s9 =	sadd.s32 $0xFFFFFEF7, lr;
	s5 =	simm.s32 $0xFFFFFFFF;
	p2 =	slt.u32 s8, $0xFFFFF086  }
0x1c: {  	p1 =	slt.u32 s9, $0xF7A;
	s5 =	simm.s32 @!p2 $0x0  }
0x1d: {  	s5 =	simm.s32 @p1 $0x1;
	p0 =	seq.s32 s7, s2  }
0x1e: {  	s7 =	smul.u32 @!p0 $0xF7A, s2;
	p2 =	seq.s32 @!p0 s5, $0x0  }
0x1f: {  	s9 =	smul.u32 $0xF7A, s1;
	s8 =	simm.s32 @!p0 $0x1BF5;
	p2 =	por !p2, p0  }
0x20: {  	[sflag:s8] =	ssyncset.s32 @!p0 $0xFFFFF086;
	s6 =	sadd.s32 @!p0 s3, s7;
	s7 =	simm.s32 @!p0 $0x108  }
0x21: {  	s3 =	sadd.s32 s3, s9;
	s6 =	sadd.s32 @!p0 $0x88, s6;
	s7 =	simm.s32 @p2 $0x1082  }
0x22: {  	[simem:s7], [sflag:s8] =	dma.local @!p0 [hbm:s6], $0xF7A  }
0x23: {  	s9 =	sor.u32 $0xD0000000, s2;
	s6 =	simm.s32 $0x108;
	_ =	swait.ge @!p0 [sflag:s8], $0x0  }
0x24: {  	s3 =	sadd.s32 $0x88, s3;
	s6 =	simm.s32 @!p1 $0x1082;
	[sflag:s4] =	ssyncset.s32 $0xFFFFF086  }
0x25: {  	[simem:s6], [sflag:s4] =	dma.local [hbm:s3], $0xF7A  }
0x26: {  	[smem:$0x3F9E] =	sst s1;
	(tag) =	ssettag s2;
	_ =	strace s9  }
0x27: {  	s1 =	sld [smem:$0x3FAE]  }
0x28: {  	s2 =	sld [smem:$0x3FAF]  }
0x29: {  	s4 =	sld [smem:$0x3FB1]  }
0x2a: {  	p0 =	seq.s32 s5, $0x0;
	s5 =	sld [smem:$0x3FB2]  }
0x2b: {  	s6 =	sld [smem:$0x3FB3]  }
0x2c: {  	s7 =	sld [smem:$0x3FB4]  }
0x2d: {  	s3 =	simm.s32 $0x108;
	s8 =	sld [smem:$0x3FB5]  }
0x2e: {  	s3 =	simm.s32 @!p0 $0x1082;
	s9 =	sld [smem:$0x3FB6]  }
0x2f: {  	lr =	sadd.s32 s0, s3;
	s0 =	sld [smem:$0x3FAD]  }
0x30: {  	s3 =	sld [smem:$0x3FB0]  }
0x31: {  	[smem:$0x3FB9] =	sst s10  }
0x32: {  	s10 =	sld [smem:$0x3FB7];
	_ =	sdelay $0x3  }
0x33: {  	p0 =	seq.s32 s10, $0x1;
	s10 =	sld [smem:$0x3FB9];
	_ =	sdelay $0x3  }
0x34: {  	[smem:$0x3FB9] =	sst s10  }
0x35: {  	s10 =	sld [smem:$0x3FB8];
	_ =	sdelay $0x3  }
0x36: {  	p1 =	seq.s32 s10, $0x1;
	s10 =	sld [smem:$0x3FB9];
	_ =	sdelay $0x3  }
0x37: {  	[smem:$0x3FB9] =	sst s10  }
0x38: {  	s10 =	sld [smem:$0x3FBA]  }
0x39: {  	_ = 	snop;
	(pc) =	sbr.ind lr, $3  }
0x3a: {  	_ = 	snop  }
0x3b: {  	_ = 	snop  }
0x3c: {  	p2 =	seq.s32 s10, $0x1;
	s10 =	sld [smem:$0x3FB9]  }
0x3d: {  	_ =	shalt  }
0x3e: {  	_ =	shalt  }
0x3f: {  	_ =	shalt  }
0x40: {  	_ =	shalt  }
0x41: {  	_ =	shalt  }
0x42: {  	_ =	shalt  }
0x43: {  	_ =	shalt  }
0x44: {  	_ =	shalt  }
0x45: {  	_ =	shalt  }
0x46: {  	_ =	shalt  }
0x47: {  	_ =	shalt  }
0x48: {  	_ =	shalt  }
0x49: {  	_ =	shalt  }
0x4a: {  	_ =	shalt  }
0x4b: {  	_ =	shalt  }
0x4c: {  	_ =	shalt  }
0x4d: {  	_ =	shalt  }
0x4e: {  	_ =	shalt  }
0x4f: {  	_ =	shalt  }
0x50: {  	_ =	shalt  }
0x51: {  	_ =	shalt  }
0x52: {  	_ =	shalt  }
0x53: {  	_ =	shalt  }
0x54: {  	_ =	shalt  }
0x55: {  	_ =	shalt  }
0x56: {  	_ =	shalt  }
0x57: {  	_ =	shalt  }
0x58: {  	_ =	shalt  }
0x59: {  	_ =	shalt  }
0x5a: {  	_ =	shalt  }
0x5b: {  	_ =	shalt  }
0x5c: {  	_ =	shalt  }
0x5d: {  	_ =	shalt  }
0x5e: {  	_ =	shalt  }
0x5f: {  	_ =	shalt  }
0x60: {  	_ =	shalt  }
0x61: {  	_ =	shalt  }
0x62: {  	_ =	shalt  }
0x63: {  	_ =	shalt  }
0x64: {  	_ =	shalt  }
0x65: {  	_ =	shalt  }
0x66: {  	_ =	shalt  }
0x67: {  	_ =	shalt  }
0x68: {  	_ =	shalt  }
0x69: {  	_ =	shalt  }
0x6a: {  	_ =	shalt  }
0x6b: {  	_ =	shalt  }
0x6c: {  	_ =	shalt  }
0x6d: {  	_ =	shalt  }
0x6e: {  	_ =	shalt  }
0x6f: {  	_ =	shalt  }
0x70: {  	_ =	shalt  }
0x71: {  	_ =	shalt  }
0x72: {  	_ =	shalt  }
0x73: {  	_ =	shalt  }
0x74: {  	_ =	shalt  }
0x75: {  	_ =	shalt  }
0x76: {  	_ =	shalt  }
0x77: {  	_ =	shalt  }
0x78: {  	_ =	shalt  }
0x79: {  	_ =	shalt  }
0x7a: {  	_ =	shalt  }
0x7b: {  	_ =	shalt  }
0x7c: {  	_ =	shalt  }
0x7d: {  	_ =	shalt  }
0x7e: {  	_ =	shalt  }
0x7f: {  	_ =	shalt  }
0x80: {  	_ =	shalt  }
0x81: {  	_ =	shalt  }
0x82: {  	_ =	shalt  }
0x83: {  	_ =	shalt  }
0x84: {  	_ =	shalt  }
0x85: {  	_ =	shalt  }
0x86: {  	_ =	shalt  }
0x87: {  	_ =	shalt  }
.Lfunc_end0:
.L_simem_size_0:
called_computation_lowered:
.L_overlay_start_0:
0x88: {  	s0 =	sld [smem:$0x3FD9]  }
0x89: {  	s1 =	sld [smem:$0x3FFE];
	_ =	sdelay $0x3  }
0x8a: {  	s0 =	sadd.s32 s1, s0  }
0x8b: {  	[smem:$0x3FC5] =	sst s0  }
0x8c: {  	_ = 	snop  }
0x8d: {  	s0 =	sld [smem:$0x3FD0]  }
0x8e: {  	s14 =	sld [smem:$0x3FC9]  }
0x8f: {  	s2 =	sld [smem:$0x3FC8]  }
0x90: {  	s4 =	simm.s32 $0xA;
	s5 =	simm.s32 $0x10;
	s3 =	sld [smem:$0x3FC7]  }
0x91: {  	[smem:s5], [sflag:s4] =	dma.local [hbm:s0], $0x1  }
0x92: {  	_ =	swait.eq [sflag:s4], $0x1  }
0x93: {  	[sflag:s4] =	ssyncset.done $0x0  }
0x94: {  	s15 =	sld [smem:$0x10];
	[sflag:s4] =	ssyncadd.s32 $0xFFFFFFFF  }
0x95: {  	s16 =	sld [smem:$0x11];
	(tm) =	ssettm $0x1  }
0x96: {  	s17 =	sld [smem:$0x3FFB];
	_ =	sdelay $0x3  }
0x97: {  	_ =	strace s17  }
0x98: {  	s5 =	sld [smem:$0x3FFC];
	_ =	sdelay $0x3  }
0x99: {  	_ =	strace s5  }
0x9a: {  	s5 =	sld [smem:$0x3FFD];
	_ =	sdelay $0x3  }
0x9b: {  	_ =	strace s5  }
0x9c: {  	_ =	strace $0x8FFFFFFF  }
0x9d: {  	s18 =	sld [smem:$0x3FDB];
	_ =	sdelay $0x1  }
0x9e: {  	s6 =	simm.s32 $_scs_section_size  }
0x9f: {  	s7 =	simm.s32 $_size__tile_overlayer_lowered;
	s8 =	simm.s32 $_tile_overlayer_lowered  }
0xa0: {  	s21 =	simm.s32 $0x1BFF;
	s20 =	sshll.u32 s8, $0x1;
	s5 =	sadd.s32 s6, s18  }
0xa1: {  	s9 =	simm.s32 $0x0;
	s19 =	sshll.u32 s7, $0x1;
	s7 =	sadd.s32 s20, s5  }
0xa2: {  	[timem:s9], [sflag:s21] =	dma.local [hbm:s7], s19  }
0xa3: {  	_ =	swait.ge [sflag:s21], s19  }
0xa4: {  	s6 =	ssub.s32 $0x0, s19;
	[sflag:s21] =	ssyncset.done $0x0  }
0xa5: {  	[sflag:s21] =	ssyncadd.s32 s6;
	_ =	sdelay $0x1  }
0xa6: {  	s22 =	simm.s32 $0x1B8B  }
0xa7: {  	_ =	swait.ge [sflag:s22], $0x1  }
0xa8: {  	[sflag:s22] =	ssyncset.done $0x0  }
0xa9: {  	s23 =	simm.s32 $0x1B8E;
	[sflag:s22] =	ssyncadd.s32 $0xFFFFFFFF  }
0xaa: {  	s24 =	simm.s32 $execute0_lowered;
	[smem:$0x3FD2] =	sst s23  }
0xab: {  	s6 =	sshll.u32 s24, $0x1;
	_ =	strace $0x80000046;
	[dreg:$0x1] =	wrdreg $0xFFFFFFFF  }
0xac: {  	s25 =	simm.s32 $_size_execute0_lowered;
	s5 =	sadd.s32 s5, s6;
	[dreg:$0x0] =	wrdreg $0x0  }
0xad: {  	s6 =	sshll.u32 s25, $0x1;
	[dreg:$0x2] =	wrdreg s5  }
0xae: {  	[dreg:$0x3] =	wrdreg s6  }
0xaf: {  	[dreg:$0x4] =	wrdreg $0xC0  }
0xb0: {  	_ =	task [dreg:s9], $0x5FFFF  }
0xb1: {  	[dreg:$0x1] =	wrdreg $0xFFFFFFFF  }
0xb2: {  	[dreg:$0x0] =	wrdreg $0x60  }
0xb3: {  	[dreg:$0x2] =	wrdreg s14  }
0xb4: {  	[dreg:$0x3] =	wrdreg s2  }
0xb5: {  	[dreg:$0x4] =	wrdreg s3  }
0xb6: {  	[dreg:$0x5] =	wrdreg s15  }
0xb7: {  	[dreg:$0x6] =	wrdreg s16  }
0xb8: {  	[dreg:$0x7] =	wrdreg $0x9  }
0xb9: {  	_ =	task.clear_ibuf [dreg:s9], $0x8FFFF;
	_ =	strace $0x90000046  }
0xba: {  	s26 =	simm.s32 $0x9;
	_ =	strace $0x80000048  }
0xbb: {  	_ =	swait.ge [sflag:s26], $0x1  }
0xbc: {  	[sflag:s26] =	ssyncadd.s32 $0xFFFFFFFF  }
0xbd: {  	_ =	strace $0x90000048  }
0xbe: {  	_ =	sfence  }
0xbf: {  	s28 =	sld [smem:$0x0];
	_ =	sdelay $0x1  }
0xc0: {  	s29 =	srdreg.scid  }
0xc1: {  	s30 =	sshll.u32 s29, $0xD;
	s31 =	sshrl.u32 s29, $0x2  }
0xc2: {  	s1 =	sand.u32 $0x1, s29;
	s2 =	sand.u32 $0x4000, s30;
	s0 =	sadd.s32 s31, s28  }
0xc3: {  	s1 =	sor.u32 s2, s1;
	s0 =	sshll.u32 s0, $0x11  }
0xc4: {  	s0 =	sor.u32 s0, s1  }
0xc5: {  	s0 =	sadd.s32 $0x8F2B, s0  }
0xc6: {  	[sflag:s0] =	ssyncadd.remote.s32 $0x1  }
0xc7: {  	_ =	sfence.sel $0xFFFF  }
0xc8: {  	[dreg:$0x0] =	wrdreg $0xFFFFFFFF;
	(pc) =	sbr.abs _section_cstart, $3  }
0xc9: {  	[dreg:$0x1] =	wrdreg $0xFFFFFFFF  }
0xca: {  	_ =	task.clear_ibuf [dreg:s9], $0x2FFFF;
	_ =	strace $0x9FFFFFFF  }
0xcb: {  	(tm) =	ssettm $0x7FFFFFFF  }
tec
execute0_lowered:
.L_overlay_start_1:
0x0: {  	(tag) =	ssettag $0x1  }
0x1: {  	s6 =	rddreg [dreg:$0x0]  }
0x2: {  	s10 =	rddreg [dreg:$0x1]  }
0x3: {  	s9 =	rddreg [dreg:$0x2]  }
0x4: {  	s4 =	rddreg [dreg:$0x3]  }
0x5: {  	s2 =	rddreg [dreg:$0x4]  }
0x6: {  	s0 =	rddreg [dreg:$0x5];
	s3 =	simm.s32 $0x0;
	s1 =	stileid.u32  }
0x7: {  	[smem:$0x7FF] =	sst s3;
	s8 =	sshll.u32 s1, $0x5  }
0x8: {  	_ =	strace $0x80000047;
	s7 =	sadd.s32 s6, s8;
	s5 =	sor.u32 $0x10, s8  }
0x9: {  	[tilespmem:s3], [sflag:$0x1] =	stream.linear.gather [hbm4b:s7+s3], $0x80, $0x38;
	[tilespmem:$0x300] =	vst v63  }
0xa: {  	s13 =	simm.s32 $0x80;
	s23 =	simm.s32 $0x1;
	s6 =	sadd.s32 s6, s5  }
0xb: {  	[tilespmem:s13], [sflag:$0x2] =	stream.linear.gather [hbm4b:s6+s3], $0x80, $0x38;
	[tilespmem:$0x300] =	vst v63  }
0xc: {  	_ =	swait.ge [sflag:s23], $0x80  }
0xd: {  	[sflag:s23] =	ssyncset.done $0x0  }
0xe: {  	[sflag:s23] =	ssyncadd.s32 $0xFFFFFF80  }
0xf: {  	v0 =	vld [tilespmem:$0x0]  }
0x10: {  	v1 =	vld [tilespmem:$0x10]  }
0x11: {  	v2 =	vld [tilespmem:$0x20]  }
0x12: {  	v3 =	vld [tilespmem:$0x30]  }
0x13: {  	v4 =	vld [tilespmem:$0x40]  }
0x14: {  	v5 =	vld [tilespmem:$0x50];
	v0 =	vadd.s32 $0xFFFFFFFF, v0  }
0x15: {  	v11 =	vld [tilespmem:$0x60];
	v10 =	vadd.s32 $0xFFFFFFFF, v1;
	[tilespmem:$0x0] =	vst v0  }
0x16: {  	v13 =	vld [tilespmem:$0x70];
	v12 =	vadd.s32 $0xFFFFFFFF, v2;
	[tilespmem:$0x10] =	vst v10  }
0x17: {  	v14 =	vadd.s32 $0xFFFFFFFF, v3;
	[tilespmem:$0x20] =	vst v12  }
0x18: {  	v15 =	vadd.s32 $0xFFFFFFFF, v4;
	[tilespmem:$0x30] =	vst v14  }
0x19: {  	v16 =	vadd.s32 $0xFFFFFFFF, v5;
	[tilespmem:$0x40] =	vst v15  }
0x1a: {  	v17 =	vadd.s32 $0xFFFFFFFF, v11;
	[tilespmem:$0x50] =	vst v16  }
0x1b: {  	v18 =	vadd.s32 $0xFFFFFFFF, v13;
	[tilespmem:$0x60] =	vst v17  }
0x1c: {  	s14 =	simm.s32 $0x100;
	[tilespmem:$0x70] =	vst v18  }
0x1d: {  	[tilespmem:s14], [sflag:$0x3] =	stream.indirect.gather [hbm4b:s10+s13], $0x1, s3, s13, $0xb8;
	[tilespmem:$0x300] =	vst v63  }
0x1e: {  	s11 =	simm.s32 $0x200;
	s24 =	simm.s32 $0x2  }
0x1f: {  	[tilespmem:s11], [sflag:$0x4] =	stream.indirect.gather [hbm4b:s9+s13], $0x1, s3, s13, $0xb8;
	[tilespmem:$0x300] =	vst v63  }
0x20: {  	_ =	swait.ge [sflag:s24], $0x80  }
0x21: {  	[sflag:s24] =	ssyncset.done $0x0  }
0x22: {  	[sflag:s24] =	ssyncadd.s32 $0xFFFFFF80  }
0x23: {  	v19 =	vld [tilespmem:$0x80]  }
0x24: {  	v20 =	vld [tilespmem:$0x90]  }
0x25: {  	v21 =	vld [tilespmem:$0xA0]  }
0x26: {  	v22 =	vld [tilespmem:$0xB0]  }
0x27: {  	v23 =	vld [tilespmem:$0xC0]  }
0x28: {  	v24 =	vld [tilespmem:$0xD0];
	v0 =	vadd.s32 $0xFFFFFFFF, v19  }
0x29: {  	v26 =	vld [tilespmem:$0xE0];
	v25 =	vadd.s32 $0xFFFFFFFF, v20;
	[tilespmem:$0x80] =	vst v0  }
0x2a: {  	v28 =	vld [tilespmem:$0xF0];
	v27 =	vadd.s32 $0xFFFFFFFF, v21;
	[tilespmem:$0x90] =	vst v25  }
0x2b: {  	v29 =	vadd.s32 $0xFFFFFFFF, v22;
	[tilespmem:$0xA0] =	vst v27  }
0x2c: {  	v30 =	vadd.s32 $0xFFFFFFFF, v23;
	[tilespmem:$0xB0] =	vst v29  }
0x2d: {  	v31 =	vadd.s32 $0xFFFFFFFF, v24;
	[tilespmem:$0xC0] =	vst v30  }
0x2e: {  	v32 =	vadd.s32 $0xFFFFFFFF, v26;
	[tilespmem:$0xD0] =	vst v31  }
0x2f: {  	v33 =	vadd.s32 $0xFFFFFFFF, v28;
	[tilespmem:$0xE0] =	vst v32  }
0x30: {  	s12 =	simm.s32 $0x180;
	[tilespmem:$0xF0] =	vst v33  }
0x31: {  	[tilespmem:s12], [sflag:$0x5] =	stream.indirect.gather [hbm4b:s10+s13], $0x1, s13, s13, $0xb8;
	[tilespmem:$0x300] =	vst v63  }
0x32: {  	s25 =	simm.s32 $0x280;
	s26 =	simm.s32 $0x3  }
0x33: {  	[tilespmem:s25], [sflag:$0x6] =	stream.indirect.gather [hbm4b:s9+s13], $0x1, s13, s13, $0xb8;
	[tilespmem:$0x300] =	vst v63  }
0x34: {  	_ =	swait.ge [sflag:s26], $0x80  }
0x35: {  	[sflag:s26] =	ssyncset.done $0x0  }
0x36: {  	[sflag:s26] =	ssyncadd.s32 $0xFFFFFF80  }
0x37: {  	v34 =	vld [tilespmem:$0x100]  }
0x38: {  	v35 =	vld [tilespmem:$0x110]  }
0x39: {  	v36 =	vld [tilespmem:$0x120]  }
0x3a: {  	v37 =	vld [tilespmem:$0x130]  }
0x3b: {  	v38 =	vld [tilespmem:$0x140]  }
0x3c: {  	v39 =	vld [tilespmem:$0x150];
	v0 =	vadd.s32 $0x1, v34  }
0x3d: {  	v41 =	vld [tilespmem:$0x160];
	v40 =	vadd.s32 $0x1, v35;
	[tilespmem:$0x100] =	vst v0  }
0x3e: {  	v43 =	vld [tilespmem:$0x170];
	v42 =	vadd.s32 $0x1, v36;
	[tilespmem:$0x110] =	vst v40  }
0x3f: {  	v44 =	vadd.s32 $0x1, v37;
	[tilespmem:$0x120] =	vst v42  }
0x40: {  	v45 =	vadd.s32 $0x1, v38;
	[tilespmem:$0x130] =	vst v44  }
0x41: {  	v46 =	vadd.s32 $0x1, v39;
	[tilespmem:$0x140] =	vst v45  }
0x42: {  	v47 =	vadd.s32 $0x1, v41;
	[tilespmem:$0x150] =	vst v46  }
0x43: {  	v48 =	vadd.s32 $0x1, v43;
	[tilespmem:$0x160] =	vst v47  }
0x44: {  	s29 =	simm.s32 $0x4;
	s28 =	sadd.s32 s4, s8;
	[tilespmem:$0x170] =	vst v48  }
0x45: {  	[hbm4b:s28+s3] =	stream.linear.scatter [tilespmem:s14], [sflag:$0x1], $0x80, $0x38;
	[tilespmem:$0x300] =	vst v63  }
0x46: {  	_ =	swait.ge [sflag:s29], $0x80  }
0x47: {  	[sflag:s29] =	ssyncset.done $0x0  }
0x48: {  	s30 =	simm.s32 $0x5;
	s8 =	sadd.s32 s2, s8;
	[sflag:s29] =	ssyncadd.s32 $0xFFFFFF80  }
0x49: {  	[hbm4b:s8+s3] =	stream.linear.scatter [tilespmem:s11], [sflag:$0x2], $0x80, $0x38;
	[tilespmem:$0x300] =	vst v63  }
0x4a: {  	_ =	swait.ge [sflag:s30], $0x80  }
0x4b: {  	[sflag:s30] =	ssyncset.done $0x0  }
0x4c: {  	[sflag:s30] =	ssyncadd.s32 $0xFFFFFF80  }
0x4d: {  	v49 =	vld [tilespmem:$0x180]  }
0x4e: {  	v50 =	vld [tilespmem:$0x190]  }
0x4f: {  	v51 =	vld [tilespmem:$0x1A0]  }
0x50: {  	v52 =	vld [tilespmem:$0x1B0]  }
0x51: {  	v53 =	vld [tilespmem:$0x1C0]  }
0x52: {  	v54 =	vld [tilespmem:$0x1D0];
	v0 =	vadd.s32 $0x1, v49  }
0x53: {  	v56 =	vld [tilespmem:$0x1E0];
	v55 =	vadd.s32 $0x1, v50;
	[tilespmem:$0x180] =	vst v0  }
0x54: {  	v58 =	vld [tilespmem:$0x1F0];
	v57 =	vadd.s32 $0x1, v51;
	[tilespmem:$0x190] =	vst v55  }
0x55: {  	v59 =	vadd.s32 $0x1, v52;
	[tilespmem:$0x1A0] =	vst v57  }
0x56: {  	v60 =	vadd.s32 $0x1, v53;
	[tilespmem:$0x1B0] =	vst v59  }
0x57: {  	v61 =	vadd.s32 $0x1, v54;
	[tilespmem:$0x1C0] =	vst v60  }
0x58: {  	v62 =	vadd.s32 $0x1, v56;
	[tilespmem:$0x1D0] =	vst v61  }
0x59: {  	v63 =	vadd.s32 $0x1, v58;
	[tilespmem:$0x1E0] =	vst v62  }
0x5a: {  	s31 =	simm.s32 $0x6;
	s4 =	sadd.s32 s4, s5;
	[tilespmem:$0x1F0] =	vst v63  }
0x5b: {  	[hbm4b:s4+s3] =	stream.linear.scatter [tilespmem:s12], [sflag:$0x3], $0x80, $0x38;
	[tilespmem:$0x300] =	vst v63  }
0x5c: {  	_ =	swait.ge [sflag:s31], $0x80  }
0x5d: {  	[sflag:s31] =	ssyncset.done $0x0  }
0x5e: {  	s2 =	sadd.s32 s2, s5;
	[sflag:s31] =	ssyncadd.s32 $0xFFFFFF80  }
0x5f: {  	[hbm4b:s2+s3] =	stream.linear.scatter [tilespmem:s25], [sflag:$0x4], $0x80, $0x38;
	[tilespmem:$0x300] =	vst v63  }
0x60: {  	_ =	swait.ge [sflag:s23], $0x80  }
0x61: {  	[sflag:s23] =	ssyncset.done $0x0  }
0x62: {  	[sflag:s23] =	ssyncadd.s32 $0xFFFFFF80  }
0x63: {  	_ =	swait.ge [sflag:s24], $0x80  }
0x64: {  	[sflag:s24] =	ssyncset.done $0x0  }
0x65: {  	[sflag:s24] =	ssyncadd.s32 $0xFFFFFF80  }
0x66: {  	_ =	swait.ge [sflag:s26], $0x80  }
0x67: {  	[sflag:s26] =	ssyncset.done $0x0  }
0x68: {  	[sflag:s26] =	ssyncadd.s32 $0xFFFFFF80  }
0x69: {  	_ =	swait.ge [sflag:s29], $0x80  }
0x6a: {  	[sflag:s29] =	ssyncset.done $0x0  }
0x6b: {  	[sflag:s29] =	ssyncadd.s32 $0xFFFFFF80  }
0x6c: {  	_ =	sfence.sel $0x180000  }
0x6d: {  	[bflag:$0x0] =	sbarrier.arrive $0xFFFF  }
0x6e: {  	p0 =	sne.s32 s1, $0x0;
	_ =	strace $0x90000047  }
0x6f: {  	s0 =	sadd.s32 @!p0 $0x100000, s0;
	[bflag:$0x2] =	sbarrier.arrive $0xFFFF  }
0x70: {  	[sflag:s0] =	ssyncadd.tile.s32 @!p0 $0x1;
	_ =	shalt  }
.Lfunc_end2:
_tile_overlayer_lowered:
.L_overlay_start_2:
0x71: {  	(tag) =	ssettag $0x2  }
0x72: {  	s0 =	rddreg [dreg:$0x0];
	s2 =	stileid.u32  }
0x73: {  	s1 =	rddreg [dreg:$0x1];
	p0 =	sne.s32 s2, $0x0  }
0x74: {  	s3 =	rddreg [dreg:$0x2];
	[bflag:$0x3] =	sbarrier.arrive $0xFFFF;
	s2 =	simm.s32 @!p0 $0x1C07  }
0x75: {  	[timem:s3], [sflag:s2] =	dma.local @!p0 [hbm:s0], s1  }
0x76: {  	s0 =	simm.s32 @!p0 $0x7  }
0x77: {  	_ =	swait.ge @!p0 [sflag:s0], s1  }
0x78: {  	s1 =	ssub.s32 @!p0 $0x0, s1;
	[sflag:s0] =	ssyncset.done @!p0 $0x0  }
0x79: {  	[sflag:s0] =	ssyncadd.s32 @!p0 s1  }
0x7a: {  	[bflag:$0x3] =	sbarrier.arrive $0xFFFF  }
0x7b: {  	_ =	shalt  }

</sc_bundles>
